<compile_context>
chip_gen: v7x
topology: tpu7x:2x2x1
jax: 0.10.2.dev20260603
libtpu: 0.0.44.dev20260713+nightly
codegen_flags: <defaults>
</compile_context>

<pallas_src>
import functools

import jax
import jax.numpy as jnp
from jax import lax
from jax.experimental import pallas as pl
from jax.experimental.pallas import tpu as pltpu
from jax.experimental.pallas import tpu_sc as plsc

_CHUNK = 80


@functools.lru_cache(maxsize=None)
def _make_gather(B, V, D):
    info = plsc.get_sparse_core_info()
    NC, NS = info.num_cores, info.num_subcores
    NW = NC * NS
    assert B % (NW * _CHUNK) == 0
    b_per_w = B // NW
    n_chunks = b_per_w // _CHUNK
    assert n_chunks % 2 == 0 and n_chunks >= 4
    mesh = plsc.VectorSubcoreMesh(core_axis_name="c", subcore_axis_name="s")

    @functools.partial(
        pl.kernel,
        mesh=mesh,
        out_type=jax.ShapeDtypeStruct((B, D), jnp.float32),
        scratch_types=[
            pltpu.VMEM((n_chunks, _CHUNK), jnp.int32),
            pltpu.VMEM((_CHUNK, D), jnp.float32),
            pltpu.VMEM((_CHUNK, D), jnp.float32),
            pltpu.SemaphoreType.DMA,
            pltpu.SemaphoreType.DMA,
            pltpu.SemaphoreType.DMA,
            pltpu.SemaphoreType.DMA,
        ],
    )
    def gather_kernel(table_hbm, idx_hbm, out_hbm, idx_v, rows0, rows1,
                      sg0, sg1, ss0, ss1):
        wid = lax.axis_index("s") * NC + lax.axis_index("c")
        base = wid * b_per_w
        rows = (rows0, rows1)
        sg = (sg0, sg1)
        ss = (ss0, ss1)

        pltpu.sync_copy(idx_hbm.at[wid], idx_v)

        def start_gather(c, b):
            pltpu.async_copy(table_hbm.at[idx_v.at[c]], rows[b], sg[b])

        def wait_gather(c, b):
            pltpu.make_async_copy(table_hbm.at[idx_v.at[c]], rows[b],
                                  sg[b]).wait()

        def start_scatter(c, b):
            pltpu.async_copy(rows[b], out_hbm.at[pl.ds(base + c * _CHUNK,
                                                       _CHUNK)], ss[b])

        def wait_scatter(c, b):
            pltpu.make_async_copy(rows[b],
                                  out_hbm.at[pl.ds(base + c * _CHUNK,
                                                   _CHUNK)], ss[b]).wait()

        start_gather(0, 0)
        start_gather(1, 1)
        wait_gather(0, 0)
        start_scatter(0, 0)

        def pair_body(i, carry):
            for j in (1, 2):
                c = 2 * i + j
                b = j % 2
                bn = 1 - b
                wait_scatter(c - 1, bn)
                start_gather(c + 1, bn)
                wait_gather(c, b)
                start_scatter(c, b)
            return carry

        lax.fori_loop(0, (n_chunks - 2) // 2, pair_body, 0)

        c = n_chunks - 1
        wait_scatter(c - 1, 0)
        wait_gather(c, 1)
        start_scatter(c, 1)
        wait_scatter(c, 1)

    return gather_kernel


def kernel(x, table):
    B0, B1 = x.shape
    V, D = table.shape
    B = B0 * B1
    info = plsc.get_sparse_core_info()
    NW = info.num_cores * info.num_subcores
    idx = x.reshape(NW, -1, _CHUNK).astype(jnp.int32)
    out = _make_gather(B, V, D)(table, idx)
    return out.reshape(B0, B1, D)

# --- scband reference (transcript-rebuilt; emitter-appended) ---
"""Pipeline reference for scband-token-embedding-20959440404727 (READ-ONLY COPY).

The authoritative reference and input builder live on the scoring server;
editing this copy changes nothing except your own understanding.
"""

import jax, jax.numpy as jnp
import numpy as np

VOCAB = 2500
EMBED_DIM = 512

def setup_inputs(seed: int = 0) -> dict:
    key = jax.random.key(seed)
    k1, k2 = jax.random.split(key)
    x = jax.random.randint(k1, (4096, 200), 0, VOCAB, dtype=jnp.int64)
    table = jax.random.normal(k2, (VOCAB, EMBED_DIM), dtype=jnp.float32)
    return {"x": x, "table": table}

def reference(x, table):
    return jnp.take(table, x, axis=0)

if __name__ == "__main__":
    import jax
    _d = setup_inputs()
    print(jax.jit(kernel)(*tuple(_d.values())))

</pallas_src>

<mosaic_0001>
#map = affine_map<(d0, d1) -> (0, 0)>
#map1 = affine_map<(d0, d1) -> (0, 0, 0)>
module attributes {stable_mosaic.version = 14 : i64} {
  func.func @gather_kernel(%arg0: i32, %arg1: i32, %arg2: memref<2500x512xf32, #tpu.memory_space<hbm>>, %arg3: memref<32x320x80xi32, #tpu.memory_space<hbm>>, %arg4: memref<819200x512xf32, #tpu.memory_space<hbm>>, %arg5: memref<320x80xi32, #tpu.memory_space<vmem>>, %arg6: memref<80x512xf32, #tpu.memory_space<vmem>>, %arg7: memref<80x512xf32, #tpu.memory_space<vmem>>, %arg8: memref<!tpu.dma_semaphore, #tpu.memory_space<semaphore_mem>>, %arg9: memref<!tpu.dma_semaphore, #tpu.memory_space<semaphore_mem>>, %arg10: memref<!tpu.dma_semaphore, #tpu.memory_space<semaphore_mem>>, %arg11: memref<!tpu.dma_semaphore, #tpu.memory_space<semaphore_mem>>) attributes {dimension_semantics = [#tpu.dimension_semantics<core_parallel>, #tpu.dimension_semantics<subcore_parallel>], iteration_bounds = array<i64: 2, 16>, scalar_prefetch = 0 : i64, scratch_operands = 7 : i64, tpu.core_type = #tpu.core_type<sc_vector_subcore>, window_params = [{transform_indices = #map}, {transform_indices = #map1}, {transform_indices = #map}]} {
    %mul3A = arith.constant 2 : i32
    %mul3A_0 = arith.muli %arg1, %mul3A : i32
    %add3A = arith.addi %mul3A_0, %arg0 : i32
    %mul3A_1 = arith.constant 25600 : i32
    %mul3A_2 = arith.muli %add3A, %mul3A_1 : i32
    "tpu.region"() ({
      %run_scoped3A = tpu.sem_alloc : memref<!tpu.dma_semaphore, #tpu.memory_space<semaphore_mem>>
      %dma_start3A_58 = arith.constant 0 : i32
      %dma_start3A_59 = arith.constant 0 : i32
      %dma_start3A_60 = tpu.memref_slice %arg3[%add3A, %dma_start3A_58, %dma_start3A_59] : memref<32x320x80xi32, #tpu.memory_space<hbm>> -> memref<1x320x80xi32, #tpu.memory_space<hbm>>
      %dma_start3A_61 = tpu.memref_squeeze %dma_start3A_60 : memref<1x320x80xi32, #tpu.memory_space<hbm>> -> memref<320x80xi32, #tpu.memory_space<hbm>>
      %dma_start3A_62 = arith.constant 0 : i32
      %dma_start3A_63 = arith.constant 0 : i32
      %dma_start3A_64 = tpu.memref_slice %arg3[%add3A, %dma_start3A_62, %dma_start3A_63] : memref<32x320x80xi32, #tpu.memory_space<hbm>> -> memref<1x320x80xi32, #tpu.memory_space<hbm>>
      %dma_start3A_65 = tpu.memref_squeeze %dma_start3A_64 : memref<1x320x80xi32, #tpu.memory_space<hbm>> -> memref<320x80xi32, #tpu.memory_space<hbm>>
      tpu.enqueue_dma source(%dma_start3A_65 : memref<320x80xi32, #tpu.memory_space<hbm>>) target(%arg5 : memref<320x80xi32, #tpu.memory_space<vmem>>) target_semaphore(%run_scoped3A : memref<!tpu.dma_semaphore, #tpu.memory_space<semaphore_mem>>)
      %dma_wait3A_66 = arith.constant 0 : i32
      %dma_wait3A_67 = arith.constant 0 : i32
      %dma_wait3A_68 = tpu.memref_slice %arg3[%add3A, %dma_wait3A_66, %dma_wait3A_67] : memref<32x320x80xi32, #tpu.memory_space<hbm>> -> memref<1x320x80xi32, #tpu.memory_space<hbm>>
      %dma_wait3A_69 = tpu.memref_squeeze %dma_wait3A_68 : memref<1x320x80xi32, #tpu.memory_space<hbm>> -> memref<320x80xi32, #tpu.memory_space<hbm>>
      %dma_wait3A_70 = arith.constant 0 : i32
      %dma_wait3A_71 = arith.constant 0 : i32
      %dma_wait3A_72 = tpu.memref_slice %arg3[%add3A, %dma_wait3A_70, %dma_wait3A_71] : memref<32x320x80xi32, #tpu.memory_space<hbm>> -> memref<1x320x80xi32, #tpu.memory_space<hbm>>
      %dma_wait3A_73 = tpu.memref_squeeze %dma_wait3A_72 : memref<1x320x80xi32, #tpu.memory_space<hbm>> -> memref<320x80xi32, #tpu.memory_space<hbm>>
      tpu.wait_dma2 semaphore(%run_scoped3A : memref<!tpu.dma_semaphore, #tpu.memory_space<semaphore_mem>>) src(%dma_wait3A_73 : memref<320x80xi32, #tpu.memory_space<hbm>>) dst(%arg5 : memref<320x80xi32, #tpu.memory_space<vmem>>)
      tpu.yield
    }) : () -> ()
    %dma_start3A = arith.constant 0 : i32
    %dma_start3A_3 = arith.constant 0 : i32
    %dma_start3A_4 = tpu.memref_slice %arg5[%dma_start3A, %dma_start3A_3] : memref<320x80xi32, #tpu.memory_space<vmem>> -> memref<1x80xi32, #tpu.memory_space<vmem>>
    %dma_start3A_5 = tpu.memref_squeeze %dma_start3A_4 : memref<1x80xi32, #tpu.memory_space<vmem>> -> memref<80xi32, #tpu.memory_space<vmem>>
    %dma_start3A_6 = arith.constant 0 : i32
    %dma_start3A_7 = arith.constant 0 : i32
    %dma_start3A_8 = tpu.memref_slice %arg2[%dma_start3A_6, %dma_start3A_7] : memref<2500x512xf32, #tpu.memory_space<hbm>> -> memref<2500x512xf32, #tpu.memory_space<hbm>>
    tpu.enqueue_indirect_dma source(%dma_start3A_8 : memref<2500x512xf32, #tpu.memory_space<hbm>>) target(%arg6 : memref<80x512xf32, #tpu.memory_space<vmem>>) offsets(%dma_start3A_5 : memref<80xi32, #tpu.memory_space<vmem>>) semaphore(%arg8 : memref<!tpu.dma_semaphore, #tpu.memory_space<semaphore_mem>>)
    %dma_start3A_9 = arith.constant 1 : i32
    %dma_start3A_10 = arith.constant 0 : i32
    %dma_start3A_11 = tpu.memref_slice %arg5[%dma_start3A_9, %dma_start3A_10] : memref<320x80xi32, #tpu.memory_space<vmem>> -> memref<1x80xi32, #tpu.memory_space<vmem>>
    %dma_start3A_12 = tpu.memref_squeeze %dma_start3A_11 : memref<1x80xi32, #tpu.memory_space<vmem>> -> memref<80xi32, #tpu.memory_space<vmem>>
    %dma_start3A_13 = arith.constant 0 : i32
    %dma_start3A_14 = arith.constant 0 : i32
    %dma_start3A_15 = tpu.memref_slice %arg2[%dma_start3A_13, %dma_start3A_14] : memref<2500x512xf32, #tpu.memory_space<hbm>> -> memref<2500x512xf32, #tpu.memory_space<hbm>>
    tpu.enqueue_indirect_dma source(%dma_start3A_15 : memref<2500x512xf32, #tpu.memory_space<hbm>>) target(%arg7 : memref<80x512xf32, #tpu.memory_space<vmem>>) offsets(%dma_start3A_12 : memref<80xi32, #tpu.memory_space<vmem>>) semaphore(%arg9 : memref<!tpu.dma_semaphore, #tpu.memory_space<semaphore_mem>>)
    %dma_wait3A = arith.constant 0 : i32
    %dma_wait3A_16 = arith.constant 0 : i32
    %dma_wait3A_17 = tpu.memref_slice %arg5[%dma_wait3A, %dma_wait3A_16] : memref<320x80xi32, #tpu.memory_space<vmem>> -> memref<1x80xi32, #tpu.memory_space<vmem>>
    %dma_wait3A_18 = tpu.memref_squeeze %dma_wait3A_17 : memref<1x80xi32, #tpu.memory_space<vmem>> -> memref<80xi32, #tpu.memory_space<vmem>>
    %dma_wait3A_19 = arith.constant 0 : i32
    %dma_wait3A_20 = arith.constant 0 : i32
    %dma_wait3A_21 = tpu.memref_slice %arg2[%dma_wait3A_19, %dma_wait3A_20] : memref<2500x512xf32, #tpu.memory_space<hbm>> -> memref<2500x512xf32, #tpu.memory_space<hbm>>
    tpu.wait_indirect_dma semaphore(%arg8 : memref<!tpu.dma_semaphore, #tpu.memory_space<semaphore_mem>>) src(%dma_wait3A_21 : memref<2500x512xf32, #tpu.memory_space<hbm>>) dst(%arg6 : memref<80x512xf32, #tpu.memory_space<vmem>>)
    %add3A_22 = arith.constant 0 : i32
    %add3A_23 = arith.addi %mul3A_2, %add3A_22 : i32
    %dma_start3A_24 = arith.constant 0 : i32
    %dma_start3A_25 = tpu.memref_slice %arg4[%add3A_23, %dma_start3A_24] : memref<819200x512xf32, #tpu.memory_space<hbm>> -> memref<80x512xf32, #tpu.memory_space<hbm>>
    %dma_start3A_26 = arith.constant 0 : i32
    %dma_start3A_27 = tpu.memref_slice %arg4[%add3A_23, %dma_start3A_26] : memref<819200x512xf32, #tpu.memory_space<hbm>> -> memref<80x512xf32, #tpu.memory_space<hbm>>
    tpu.enqueue_dma source(%arg6 : memref<80x512xf32, #tpu.memory_space<vmem>>) target(%dma_start3A_27 : memref<80x512xf32, #tpu.memory_space<hbm>>) target_semaphore(%arg10 : memref<!tpu.dma_semaphore, #tpu.memory_space<semaphore_mem>>)
    %scan3A = arith.constant 0 : i32
    %scan3A_28 = arith.constant 0 : i32
    %scan3A_29 = arith.constant 159 : i32
    %scan3A_30 = arith.addi %scan3A_28, %scan3A_29 : i32
    %scan3A_31 = arith.constant 1 : i32
    scf.for %scan3A_58 = %scan3A_28 to %scan3A_30 step %scan3A_31  : i32 {
      %mul3A_59 = arith.constant 2 : i32
      %mul3A_60 = arith.muli %mul3A_59, %scan3A_58 : i32
      %add3A_61 = arith.constant 1 : i32
      %add3A_62 = arith.addi %mul3A_60, %add3A_61 : i32
      %sub3A = arith.constant 1 : i32
      %sub3A_63 = arith.subi %add3A_62, %sub3A : i32
      %mul3A_64 = arith.constant 80 : i32
      %mul3A_65 = arith.muli %sub3A_63, %mul3A_64 : i32
      %add3A_66 = arith.addi %mul3A_2, %mul3A_65 : i32
      %dma_wait3A_67 = arith.constant 0 : i32
      %dma_wait3A_68 = tpu.memref_slice %arg4[%add3A_66, %dma_wait3A_67] : memref<819200x512xf32, #tpu.memory_space<hbm>> -> memref<80x512xf32, #tpu.memory_space<hbm>>
      %dma_wait3A_69 = arith.constant 0 : i32
      %dma_wait3A_70 = tpu.memref_slice %arg4[%add3A_66, %dma_wait3A_69] : memref<819200x512xf32, #tpu.memory_space<hbm>> -> memref<80x512xf32, #tpu.memory_space<hbm>>
      tpu.wait_dma2 semaphore(%arg10 : memref<!tpu.dma_semaphore, #tpu.memory_space<semaphore_mem>>) src(%arg6 : memref<80x512xf32, #tpu.memory_space<vmem>>) dst(%dma_wait3A_70 : memref<80x512xf32, #tpu.memory_space<hbm>>)
      %add3A_71 = arith.constant 1 : i32
      %add3A_72 = arith.addi %add3A_62, %add3A_71 : i32
      %dma_start3A_73 = arith.constant 0 : i32
      %dma_start3A_74 = tpu.memref_slice %arg5[%add3A_72, %dma_start3A_73] : memref<320x80xi32, #tpu.memory_space<vmem>> -> memref<1x80xi32, #tpu.memory_space<vmem>>
      %dma_start3A_75 = tpu.memref_squeeze %dma_start3A_74 : memref<1x80xi32, #tpu.memory_space<vmem>> -> memref<80xi32, #tpu.memory_space<vmem>>
      %dma_start3A_76 = arith.constant 0 : i32
      %dma_start3A_77 = arith.constant 0 : i32
      %dma_start3A_78 = tpu.memref_slice %arg2[%dma_start3A_76, %dma_start3A_77] : memref<2500x512xf32, #tpu.memory_space<hbm>> -> memref<2500x512xf32, #tpu.memory_space<hbm>>
      tpu.enqueue_indirect_dma source(%dma_start3A_78 : memref<2500x512xf32, #tpu.memory_space<hbm>>) target(%arg6 : memref<80x512xf32, #tpu.memory_space<vmem>>) offsets(%dma_start3A_75 : memref<80xi32, #tpu.memory_space<vmem>>) semaphore(%arg8 : memref<!tpu.dma_semaphore, #tpu.memory_space<semaphore_mem>>)
      %dma_wait3A_79 = arith.constant 0 : i32
      %dma_wait3A_80 = tpu.memref_slice %arg5[%add3A_62, %dma_wait3A_79] : memref<320x80xi32, #tpu.memory_space<vmem>> -> memref<1x80xi32, #tpu.memory_space<vmem>>
      %dma_wait3A_81 = tpu.memref_squeeze %dma_wait3A_80 : memref<1x80xi32, #tpu.memory_space<vmem>> -> memref<80xi32, #tpu.memory_space<vmem>>
      %dma_wait3A_82 = arith.constant 0 : i32
      %dma_wait3A_83 = arith.constant 0 : i32
      %dma_wait3A_84 = tpu.memref_slice %arg2[%dma_wait3A_82, %dma_wait3A_83] : memref<2500x512xf32, #tpu.memory_space<hbm>> -> memref<2500x512xf32, #tpu.memory_space<hbm>>
      tpu.wait_indirect_dma semaphore(%arg9 : memref<!tpu.dma_semaphore, #tpu.memory_space<semaphore_mem>>) src(%dma_wait3A_84 : memref<2500x512xf32, #tpu.memory_space<hbm>>) dst(%arg7 : memref<80x512xf32, #tpu.memory_space<vmem>>)
      %mul3A_85 = arith.constant 80 : i32
      %mul3A_86 = arith.muli %add3A_62, %mul3A_85 : i32
      %add3A_87 = arith.addi %mul3A_2, %mul3A_86 : i32
      %dma_start3A_88 = arith.constant 0 : i32
      %dma_start3A_89 = tpu.memref_slice %arg4[%add3A_87, %dma_start3A_88] : memref<819200x512xf32, #tpu.memory_space<hbm>> -> memref<80x512xf32, #tpu.memory_space<hbm>>
      %dma_start3A_90 = arith.constant 0 : i32
      %dma_start3A_91 = tpu.memref_slice %arg4[%add3A_87, %dma_start3A_90] : memref<819200x512xf32, #tpu.memory_space<hbm>> -> memref<80x512xf32, #tpu.memory_space<hbm>>
      tpu.enqueue_dma source(%arg7 : memref<80x512xf32, #tpu.memory_space<vmem>>) target(%dma_start3A_91 : memref<80x512xf32, #tpu.memory_space<hbm>>) target_semaphore(%arg11 : memref<!tpu.dma_semaphore, #tpu.memory_space<semaphore_mem>>)
      %mul3A_92 = arith.constant 2 : i32
      %mul3A_93 = arith.muli %mul3A_92, %scan3A_58 : i32
      %add3A_94 = arith.constant 2 : i32
      %add3A_95 = arith.addi %mul3A_93, %add3A_94 : i32
      %sub3A_96 = arith.constant 1 : i32
      %sub3A_97 = arith.subi %add3A_95, %sub3A_96 : i32
      %mul3A_98 = arith.constant 80 : i32
      %mul3A_99 = arith.muli %sub3A_97, %mul3A_98 : i32
      %add3A_100 = arith.addi %mul3A_2, %mul3A_99 : i32
      %dma_wait3A_101 = arith.constant 0 : i32
      %dma_wait3A_102 = tpu.memref_slice %arg4[%add3A_100, %dma_wait3A_101] : memref<819200x512xf32, #tpu.memory_space<hbm>> -> memref<80x512xf32, #tpu.memory_space<hbm>>
      %dma_wait3A_103 = arith.constant 0 : i32
      %dma_wait3A_104 = tpu.memref_slice %arg4[%add3A_100, %dma_wait3A_103] : memref<819200x512xf32, #tpu.memory_space<hbm>> -> memref<80x512xf32, #tpu.memory_space<hbm>>
      tpu.wait_dma2 semaphore(%arg11 : memref<!tpu.dma_semaphore, #tpu.memory_space<semaphore_mem>>) src(%arg7 : memref<80x512xf32, #tpu.memory_space<vmem>>) dst(%dma_wait3A_104 : memref<80x512xf32, #tpu.memory_space<hbm>>)
      %add3A_105 = arith.constant 1 : i32
      %add3A_106 = arith.addi %add3A_95, %add3A_105 : i32
      %dma_start3A_107 = arith.constant 0 : i32
      %dma_start3A_108 = tpu.memref_slice %arg5[%add3A_106, %dma_start3A_107] : memref<320x80xi32, #tpu.memory_space<vmem>> -> memref<1x80xi32, #tpu.memory_space<vmem>>
      %dma_start3A_109 = tpu.memref_squeeze %dma_start3A_108 : memref<1x80xi32, #tpu.memory_space<vmem>> -> memref<80xi32, #tpu.memory_space<vmem>>
      %dma_start3A_110 = arith.constant 0 : i32
      %dma_start3A_111 = arith.constant 0 : i32
      %dma_start3A_112 = tpu.memref_slice %arg2[%dma_start3A_110, %dma_start3A_111] : memref<2500x512xf32, #tpu.memory_space<hbm>> -> memref<2500x512xf32, #tpu.memory_space<hbm>>
      tpu.enqueue_indirect_dma source(%dma_start3A_112 : memref<2500x512xf32, #tpu.memory_space<hbm>>) target(%arg7 : memref<80x512xf32, #tpu.memory_space<vmem>>) offsets(%dma_start3A_109 : memref<80xi32, #tpu.memory_space<vmem>>) semaphore(%arg9 : memref<!tpu.dma_semaphore, #tpu.memory_space<semaphore_mem>>)
      %dma_wait3A_113 = arith.constant 0 : i32
      %dma_wait3A_114 = tpu.memref_slice %arg5[%add3A_95, %dma_wait3A_113] : memref<320x80xi32, #tpu.memory_space<vmem>> -> memref<1x80xi32, #tpu.memory_space<vmem>>
      %dma_wait3A_115 = tpu.memref_squeeze %dma_wait3A_114 : memref<1x80xi32, #tpu.memory_space<vmem>> -> memref<80xi32, #tpu.memory_space<vmem>>
      %dma_wait3A_116 = arith.constant 0 : i32
      %dma_wait3A_117 = arith.constant 0 : i32
      %dma_wait3A_118 = tpu.memref_slice %arg2[%dma_wait3A_116, %dma_wait3A_117] : memref<2500x512xf32, #tpu.memory_space<hbm>> -> memref<2500x512xf32, #tpu.memory_space<hbm>>
      tpu.wait_indirect_dma semaphore(%arg8 : memref<!tpu.dma_semaphore, #tpu.memory_space<semaphore_mem>>) src(%dma_wait3A_118 : memref<2500x512xf32, #tpu.memory_space<hbm>>) dst(%arg6 : memref<80x512xf32, #tpu.memory_space<vmem>>)
      %mul3A_119 = arith.constant 80 : i32
      %mul3A_120 = arith.muli %add3A_95, %mul3A_119 : i32
      %add3A_121 = arith.addi %mul3A_2, %mul3A_120 : i32
      %dma_start3A_122 = arith.constant 0 : i32
      %dma_start3A_123 = tpu.memref_slice %arg4[%add3A_121, %dma_start3A_122] : memref<819200x512xf32, #tpu.memory_space<hbm>> -> memref<80x512xf32, #tpu.memory_space<hbm>>
      %dma_start3A_124 = arith.constant 0 : i32
      %dma_start3A_125 = tpu.memref_slice %arg4[%add3A_121, %dma_start3A_124] : memref<819200x512xf32, #tpu.memory_space<hbm>> -> memref<80x512xf32, #tpu.memory_space<hbm>>
      tpu.enqueue_dma source(%arg6 : memref<80x512xf32, #tpu.memory_space<vmem>>) target(%dma_start3A_125 : memref<80x512xf32, #tpu.memory_space<hbm>>) target_semaphore(%arg10 : memref<!tpu.dma_semaphore, #tpu.memory_space<semaphore_mem>>)
    }
    %scan3A_32 = arith.constant 159 : i32
    %add3A_33 = arith.constant 25440 : i32
    %add3A_34 = arith.addi %mul3A_2, %add3A_33 : i32
    %dma_wait3A_35 = arith.constant 0 : i32
    %dma_wait3A_36 = tpu.memref_slice %arg4[%add3A_34, %dma_wait3A_35] : memref<819200x512xf32, #tpu.memory_space<hbm>> -> memref<80x512xf32, #tpu.memory_space<hbm>>
    %dma_wait3A_37 = arith.constant 0 : i32
    %dma_wait3A_38 = tpu.memref_slice %arg4[%add3A_34, %dma_wait3A_37] : memref<819200x512xf32, #tpu.memory_space<hbm>> -> memref<80x512xf32, #tpu.memory_space<hbm>>
    tpu.wait_dma2 semaphore(%arg10 : memref<!tpu.dma_semaphore, #tpu.memory_space<semaphore_mem>>) src(%arg6 : memref<80x512xf32, #tpu.memory_space<vmem>>) dst(%dma_wait3A_38 : memref<80x512xf32, #tpu.memory_space<hbm>>)
    %dma_wait3A_39 = arith.constant 319 : i32
    %dma_wait3A_40 = arith.constant 0 : i32
    %dma_wait3A_41 = tpu.memref_slice %arg5[%dma_wait3A_39, %dma_wait3A_40] : memref<320x80xi32, #tpu.memory_space<vmem>> -> memref<1x80xi32, #tpu.memory_space<vmem>>
    %dma_wait3A_42 = tpu.memref_squeeze %dma_wait3A_41 : memref<1x80xi32, #tpu.memory_space<vmem>> -> memref<80xi32, #tpu.memory_space<vmem>>
    %dma_wait3A_43 = arith.constant 0 : i32
    %dma_wait3A_44 = arith.constant 0 : i32
    %dma_wait3A_45 = tpu.memref_slice %arg2[%dma_wait3A_43, %dma_wait3A_44] : memref<2500x512xf32, #tpu.memory_space<hbm>> -> memref<2500x512xf32, #tpu.memory_space<hbm>>
    tpu.wait_indirect_dma semaphore(%arg9 : memref<!tpu.dma_semaphore, #tpu.memory_space<semaphore_mem>>) src(%dma_wait3A_45 : memref<2500x512xf32, #tpu.memory_space<hbm>>) dst(%arg7 : memref<80x512xf32, #tpu.memory_space<vmem>>)
    %add3A_46 = arith.constant 25520 : i32
    %add3A_47 = arith.addi %mul3A_2, %add3A_46 : i32
    %dma_start3A_48 = arith.constant 0 : i32
    %dma_start3A_49 = tpu.memref_slice %arg4[%add3A_47, %dma_start3A_48] : memref<819200x512xf32, #tpu.memory_space<hbm>> -> memref<80x512xf32, #tpu.memory_space<hbm>>
    %dma_start3A_50 = arith.constant 0 : i32
    %dma_start3A_51 = tpu.memref_slice %arg4[%add3A_47, %dma_start3A_50] : memref<819200x512xf32, #tpu.memory_space<hbm>> -> memref<80x512xf32, #tpu.memory_space<hbm>>
    tpu.enqueue_dma source(%arg7 : memref<80x512xf32, #tpu.memory_space<vmem>>) target(%dma_start3A_51 : memref<80x512xf32, #tpu.memory_space<hbm>>) target_semaphore(%arg11 : memref<!tpu.dma_semaphore, #tpu.memory_space<semaphore_mem>>)
    %add3A_52 = arith.constant 25520 : i32
    %add3A_53 = arith.addi %mul3A_2, %add3A_52 : i32
    %dma_wait3A_54 = arith.constant 0 : i32
    %dma_wait3A_55 = tpu.memref_slice %arg4[%add3A_53, %dma_wait3A_54] : memref<819200x512xf32, #tpu.memory_space<hbm>> -> memref<80x512xf32, #tpu.memory_space<hbm>>
    %dma_wait3A_56 = arith.constant 0 : i32
    %dma_wait3A_57 = tpu.memref_slice %arg4[%add3A_53, %dma_wait3A_56] : memref<819200x512xf32, #tpu.memory_space<hbm>> -> memref<80x512xf32, #tpu.memory_space<hbm>>
    tpu.wait_dma2 semaphore(%arg11 : memref<!tpu.dma_semaphore, #tpu.memory_space<semaphore_mem>>) src(%arg7 : memref<80x512xf32, #tpu.memory_space<vmem>>) dst(%dma_wait3A_57 : memref<80x512xf32, #tpu.memory_space<hbm>>)
    return
  }
}

</mosaic_0001>

<sc_bundles>
// kernel: kernel.3.cloned.1.call-start
scs
__scs_entry_jumppad:
0x0: {  	(pc) =	sbr.rel $0x88, $3  }
0x1: {  	(tag) =	ssettag $0x0;
	lr =	simm.s32 $0x1  }
0x2: {  	[smem:$0x3F9F] =	sst lr;
	_ =	strace $0xD0000000  }
0x3: {  	_ = 	snop  }
0x4: {  	_ = 	snop  }
0x5: {  	_ = 	snop  }
0x6: {  	_ = 	snop  }
0x7: {  	_ = 	snop  }
__scs_overlays_trampoline_lowered:
0x8: {  	[smem:$0x3FAE] =	sst s0  }
0x9: {  	[smem:$0x3FAF] =	sst s1  }
0xa: {  	[smem:$0x3FB0] =	sst s2  }
0xb: {  	[smem:$0x3FB1] =	sst s3  }
0xc: {  	[smem:$0x3FB2] =	sst s4  }
0xd: {  	[smem:$0x3FB3] =	sst s5  }
0xe: {  	[smem:$0x3FB4] =	sst s6  }
0xf: {  	[smem:$0x3FB5] =	sst s7  }
0x10: {  	[smem:$0x3FB6] =	sst s8  }
0x11: {  	[smem:$0x3FB7] =	sst s9;
	s0 =	simm.s32 @!p0 $0x0  }
0x12: {  	s1 =	sld [smem:$0x3F9D];
	s0 =	simm.s32 @p0 $0x1  }
0x13: {  	[smem:$0x3FB8] =	sst s0;
	s0 =	simm.s32 @!p1 $0x0  }
0x14: {  	s2 =	sld [smem:$0x3F9C];
	s0 =	simm.s32 @p1 $0x1  }
0x15: {  	[smem:$0x3FB9] =	sst s0;
	s0 =	simm.s32 @!p2 $0x0  }
0x16: {  	s3 =	sld [smem:$0x3FDB];
	s0 =	simm.s32 @p2 $0x1  }
0x17: {  	s4 =	simm.s32 $0x1BF5;
	[smem:$0x3FBB] =	sst s0  }
0x18: {  	s0 =	sld [smem:$0x3F9E];
	_ =	swait.ge [sflag:s4], $0x0  }
0x19: {  	s7 =	sld [smem:$0x3F9F]  }
0x1a: {  	s8 =	sadd.s32 $0xFFFFE003, lr  }
0x1b: {  	s9 =	sadd.s32 $0xFFFFFEF7, lr;
	s5 =	simm.s32 $0xFFFFFFFF;
	p2 =	slt.u32 s8, $0xFFFFF086  }
0x1c: {  	p1 =	slt.u32 s9, $0xF7A;
	s5 =	simm.s32 @!p2 $0x0  }
0x1d: {  	s5 =	simm.s32 @p1 $0x1;
	p0 =	seq.s32 s7, s2  }
0x1e: {  	s7 =	smul.u32 @!p0 $0xF7A, s2;
	p2 =	seq.s32 @!p0 s5, $0x0  }
0x1f: {  	s9 =	smul.u32 $0xF7A, s1;
	s8 =	simm.s32 @!p0 $0x1BF5;
	p2 =	por !p2, p0  }
0x20: {  	[sflag:s8] =	ssyncset.s32 @!p0 $0xFFFFF086;
	s6 =	sadd.s32 @!p0 s3, s7;
	s7 =	simm.s32 @!p0 $0x108  }
0x21: {  	s3 =	sadd.s32 s3, s9;
	s6 =	sadd.s32 @!p0 $0x88, s6;
	s7 =	simm.s32 @p2 $0x1082  }
0x22: {  	[simem:s7], [sflag:s8] =	dma.local @!p0 [hbm:s6], $0xF7A  }
0x23: {  	s9 =	sor.u32 $0xD0000000, s2;
	s6 =	simm.s32 $0x108;
	_ =	swait.ge @!p0 [sflag:s8], $0x0  }
0x24: {  	s3 =	sadd.s32 $0x88, s3;
	s6 =	simm.s32 @!p1 $0x1082;
	[sflag:s4] =	ssyncset.s32 $0xFFFFF086  }
0x25: {  	[simem:s6], [sflag:s4] =	dma.local [hbm:s3], $0xF7A  }
0x26: {  	[smem:$0x3F9F] =	sst s1;
	(tag) =	ssettag s2;
	_ =	strace s9  }
0x27: {  	s1 =	sld [smem:$0x3FAF]  }
0x28: {  	s2 =	sld [smem:$0x3FB0]  }
0x29: {  	s4 =	sld [smem:$0x3FB2]  }
0x2a: {  	p0 =	seq.s32 s5, $0x0;
	s5 =	sld [smem:$0x3FB3]  }
0x2b: {  	s6 =	sld [smem:$0x3FB4]  }
0x2c: {  	s7 =	sld [smem:$0x3FB5]  }
0x2d: {  	s3 =	simm.s32 $0x108;
	s8 =	sld [smem:$0x3FB6]  }
0x2e: {  	s3 =	simm.s32 @!p0 $0x1082;
	s9 =	sld [smem:$0x3FB7]  }
0x2f: {  	lr =	sadd.s32 s0, s3;
	s0 =	sld [smem:$0x3FAE]  }
0x30: {  	s3 =	sld [smem:$0x3FB1]  }
0x31: {  	[smem:$0x3FBA] =	sst s10  }
0x32: {  	s10 =	sld [smem:$0x3FB8];
	_ =	sdelay $0x3  }
0x33: {  	p0 =	seq.s32 s10, $0x1;
	s10 =	sld [smem:$0x3FBA];
	_ =	sdelay $0x3  }
0x34: {  	[smem:$0x3FBA] =	sst s10  }
0x35: {  	s10 =	sld [smem:$0x3FB9];
	_ =	sdelay $0x3  }
0x36: {  	p1 =	seq.s32 s10, $0x1;
	s10 =	sld [smem:$0x3FBA];
	_ =	sdelay $0x3  }
0x37: {  	[smem:$0x3FBA] =	sst s10  }
0x38: {  	s10 =	sld [smem:$0x3FBB]  }
0x39: {  	_ = 	snop;
	(pc) =	sbr.ind lr, $3  }
0x3a: {  	_ = 	snop  }
0x3b: {  	_ = 	snop  }
0x3c: {  	p2 =	seq.s32 s10, $0x1;
	s10 =	sld [smem:$0x3FBA]  }
0x3d: {  	_ =	shalt  }
0x3e: {  	_ =	shalt  }
0x3f: {  	_ =	shalt  }
0x40: {  	_ =	shalt  }
0x41: {  	_ =	shalt  }
0x42: {  	_ =	shalt  }
0x43: {  	_ =	shalt  }
0x44: {  	_ =	shalt  }
0x45: {  	_ =	shalt  }
0x46: {  	_ =	shalt  }
0x47: {  	_ =	shalt  }
0x48: {  	_ =	shalt  }
0x49: {  	_ =	shalt  }
0x4a: {  	_ =	shalt  }
0x4b: {  	_ =	shalt  }
0x4c: {  	_ =	shalt  }
0x4d: {  	_ =	shalt  }
0x4e: {  	_ =	shalt  }
0x4f: {  	_ =	shalt  }
0x50: {  	_ =	shalt  }
0x51: {  	_ =	shalt  }
0x52: {  	_ =	shalt  }
0x53: {  	_ =	shalt  }
0x54: {  	_ =	shalt  }
0x55: {  	_ =	shalt  }
0x56: {  	_ =	shalt  }
0x57: {  	_ =	shalt  }
0x58: {  	_ =	shalt  }
0x59: {  	_ =	shalt  }
0x5a: {  	_ =	shalt  }
0x5b: {  	_ =	shalt  }
0x5c: {  	_ =	shalt  }
0x5d: {  	_ =	shalt  }
0x5e: {  	_ =	shalt  }
0x5f: {  	_ =	shalt  }
0x60: {  	_ =	shalt  }
0x61: {  	_ =	shalt  }
0x62: {  	_ =	shalt  }
0x63: {  	_ =	shalt  }
0x64: {  	_ =	shalt  }
0x65: {  	_ =	shalt  }
0x66: {  	_ =	shalt  }
0x67: {  	_ =	shalt  }
0x68: {  	_ =	shalt  }
0x69: {  	_ =	shalt  }
0x6a: {  	_ =	shalt  }
0x6b: {  	_ =	shalt  }
0x6c: {  	_ =	shalt  }
0x6d: {  	_ =	shalt  }
0x6e: {  	_ =	shalt  }
0x6f: {  	_ =	shalt  }
0x70: {  	_ =	shalt  }
0x71: {  	_ =	shalt  }
0x72: {  	_ =	shalt  }
0x73: {  	_ =	shalt  }
0x74: {  	_ =	shalt  }
0x75: {  	_ =	shalt  }
0x76: {  	_ =	shalt  }
0x77: {  	_ =	shalt  }
0x78: {  	_ =	shalt  }
0x79: {  	_ =	shalt  }
0x7a: {  	_ =	shalt  }
0x7b: {  	_ =	shalt  }
0x7c: {  	_ =	shalt  }
0x7d: {  	_ =	shalt  }
0x7e: {  	_ =	shalt  }
0x7f: {  	_ =	shalt  }
0x80: {  	_ =	shalt  }
0x81: {  	_ =	shalt  }
0x82: {  	_ =	shalt  }
0x83: {  	_ =	shalt  }
0x84: {  	_ =	shalt  }
0x85: {  	_ =	shalt  }
0x86: {  	_ =	shalt  }
0x87: {  	_ =	shalt  }
.Lfunc_end0:
.L_simem_size_0:
called_computation_lowered:
.L_overlay_start_0:
0x88: {  	s2 =	sld [smem:$0x3FD9]  }
0x89: {  	s3 =	sld [smem:$0x3FFE];
	_ =	sdelay $0x1  }
0x8a: {  	s1 =	srdreg.scid  }
0x8b: {  	s0 =	sand.u32 $0x1, s1  }
0x8c: {  	s17 =	sshll.u32 s0, $0xA;
	s2 =	sadd.s32 s3, s2  }
0x8d: {  	s2 =	sadd.s32 s2, s17  }
0x8e: {  	[smem:$0x3FC6] =	sst s2  }
0x8f: {  	_ = 	snop  }
0x90: {  	s2 =	sld [smem:$0x3FC8]  }
0x91: {  	s18 =	sld [smem:$0x3FD0];
	(tm) =	ssettm $0x1  }
0x92: {  	s4 =	sld [smem:$0x3FFB];
	_ =	sdelay $0x3  }
0x93: {  	_ =	strace s4  }
0x94: {  	s4 =	sld [smem:$0x3FFC];
	_ =	sdelay $0x3  }
0x95: {  	_ =	strace s4  }
0x96: {  	s4 =	sld [smem:$0x3FFD];
	_ =	sdelay $0x3  }
0x97: {  	_ =	strace s4  }
0x98: {  	_ =	strace $0x8FFFFFFF  }
0x99: {  	s19 =	sld [smem:$0x3FDB];
	_ =	sdelay $0x1  }
0x9a: {  	s5 =	simm.s32 $_scs_section_size  }
0x9b: {  	s6 =	simm.s32 $_size__tile_overlayer_lowered;
	s7 =	simm.s32 $_tile_overlayer_lowered  }
0x9c: {  	s22 =	simm.s32 $0x1BFF;
	s21 =	sshll.u32 s7, $0x1;
	s4 =	sadd.s32 s5, s19  }
0x9d: {  	s8 =	simm.s32 $0x0;
	s20 =	sshll.u32 s6, $0x1;
	s6 =	sadd.s32 s21, s4  }
0x9e: {  	[timem:s8], [sflag:s22] =	dma.local [hbm:s6], s20  }
0x9f: {  	_ =	swait.ge [sflag:s22], s20  }
0xa0: {  	s5 =	ssub.s32 $0x0, s20;
	[sflag:s22] =	ssyncset.done $0x0  }
0xa1: {  	[sflag:s22] =	ssyncadd.s32 s5;
	_ =	sdelay $0x1  }
0xa2: {  	s23 =	simm.s32 $0x1B8B  }
0xa3: {  	_ =	swait.ge [sflag:s23], $0x1  }
0xa4: {  	[sflag:s23] =	ssyncset.done $0x0  }
0xa5: {  	s25 =	simm.s32 $0x1B8E;
	s24 =	sld [smem:$0x3FFE];
	[sflag:s23] =	ssyncadd.s32 $0xFFFFFFFF  }
0xa6: {  	s26 =	simm.s32 $execute0_lowered;
	[smem:$0x3FD2] =	sst s25  }
0xa7: {  	s6 =	sshll.u32 s26, $0x1;
	_ =	strace $0x80000046;
	[dreg:$0x1] =	wrdreg $0xFFFFFFFF  }
0xa8: {  	s28 =	simm.s32 $_size_execute0_lowered;
	s4 =	sadd.s32 s4, s6;
	[dreg:$0x0] =	wrdreg $0x0  }
0xa9: {  	s6 =	sshll.u32 s28, $0x1;
	[dreg:$0x2] =	wrdreg s4  }
0xaa: {  	[dreg:$0x3] =	wrdreg s6  }
0xab: {  	[dreg:$0x4] =	wrdreg $0xC0  }
0xac: {  	_ =	task [dreg:s8], $0x5FFFF  }
0xad: {  	[dreg:$0x1] =	wrdreg $0xFFFFFFFF  }
0xae: {  	[dreg:$0x0] =	wrdreg $0x60  }
0xaf: {  	[dreg:$0x2] =	wrdreg s2  }
0xb0: {  	[dreg:$0x3] =	wrdreg s24  }
0xb1: {  	[dreg:$0x4] =	wrdreg s18  }
0xb2: {  	[dreg:$0x5] =	wrdreg $0x9  }
0xb3: {  	_ =	task.clear_ibuf [dreg:s8], $0x6FFFF;
	_ =	strace $0x90000046  }
0xb4: {  	s29 =	simm.s32 $0x9;
	_ =	strace $0x80000048  }
0xb5: {  	_ =	swait.ge [sflag:s29], $0x1  }
0xb6: {  	[sflag:s29] =	ssyncadd.s32 $0xFFFFFFFF  }
0xb7: {  	_ =	strace $0x90000048  }
0xb8: {  	_ =	sfence  }
0xb9: {  	s30 =	sld [smem:$0x0];
	_ =	sdelay $0x2  }
0xba: {  	s31 =	sshll.u32 s1, $0xD;
	s1 =	sshrl.u32 s1, $0x2  }
0xbb: {  	s3 =	sand.u32 $0x4000, s31;
	s1 =	sadd.s32 s1, s30  }
0xbc: {  	s0 =	sor.u32 s3, s0;
	s1 =	sshll.u32 s1, $0x11  }
0xbd: {  	s0 =	sor.u32 s1, s0  }
0xbe: {  	s0 =	sadd.s32 $0x8F2B, s0  }
0xbf: {  	[sflag:s0] =	ssyncadd.remote.s32 $0x1  }
0xc0: {  	_ =	sfence.sel $0xFFFF  }
0xc1: {  	[dreg:$0x0] =	wrdreg $0xFFFFFFFF;
	(pc) =	sbr.abs _section_cstart, $3  }
0xc2: {  	[dreg:$0x1] =	wrdreg $0xFFFFFFFF  }
0xc3: {  	_ =	task.clear_ibuf [dreg:s8], $0x2FFFF;
	_ =	strace $0x9FFFFFFF  }
0xc4: {  	(tm) =	ssettm $0x7FFFFFFF  }
0xc5: {  	_ =	shalt  }
tec
execute0_lowered:
.L_overlay_start_1:
0x0: {  	(tag) =	ssettag $0x1  }
0x1: {  	s1 =	rddreg [dreg:$0x0]  }
0x2: {  	s0 =	srdreg.scid;
	s2 =	rddreg [dreg:$0x1]  }
0x3: {  	s10 =	stileid.u32;
	s4 =	rddreg [dreg:$0x2];
	s28 =	simm.s32 $0xA000  }
0x4: {  	s30 =	simm.s32 $0xA800;
	s29 =	simm.s32 $0xB000;
	s11 =	simm.s32 $0xE000  }
0x5: {  	s12 =	simm.s32 $0xE800;
	s13 =	simm.s32 $0xF000;
	s14 =	simm.s32 $0xF800  }
0x6: {  	s15 =	simm.s32 $0x10000;
	s16 =	simm.s32 $0x10800;
	s17 =	simm.s32 $0x11000  }
0x7: {  	s18 =	simm.s32 $0x11800;
	s19 =	simm.s32 $0x12000;
	s20 =	simm.s32 $0x12800  }
0x8: {  	s21 =	simm.s32 $0x13000;
	s22 =	simm.s32 $0x13800;
	s31 =	simm.s32 $0x15000  }
0x9: {  	s0 =	sand.u32 $0x1, s0;
	s3 =	sshll.u32 s10, $0x1;
	s24 =	smul.u32 $0x320000, s10  }
0xa: {  	s5 =	sor.u32 s0, s3;
	s7 =	ssub.s32 $0x2, s0;
	s0 =	smul.u32 $0x190000, s0  }
0xb: {  	s10 =	simm.s32 $0x14800;
	s3 =	simm.s32 $0x0;
	s6 =	smul.u32 $0x1400, s5  }
0xc: {  	[smem:$0x7FF] =	sst s3;
	s8 =	smul.u32 $0x190000, s5;
	s9 =	sshrl.u32 s7, $0x1  }
0xd: {  	s5 =	smul.u32 $0xC80000, s5;
	_ =	strace $0x80000047;
	s23 =	ssub.s32 s7, s9  }
0xe: {  	s7 =	sadd.s32 s24, s4;
	s9 =	simm.s32 $0xD800;
	s24 =	simm.s32 $0x3  }
0xf: {  	s2 =	sadd.s32 s6, s2;
	s25 =	sshrl.u32 s5, $0x3;
	s5 =	sadd.s32 $0x100, s1  }
0x10: {  	s0 =	sadd.s32 s0, s7;
	s26 =	smax.u32 s23, $0x1;
	s6 =	simm.s32 $0xC000  }
0x11: {  	s7 =	simm.s32 $0xC800;
	s23 =	simm.s32 $0x1;
	[dreg:$0x8] =	wrdreg s26  }
0x12: {  	s2 =	sadd.s32 $0x400, s2;
	[dreg:$0x4] =	wrdreg s0;
	s0 =	simm.s32 $0x14000  }
0x13: {  	[dreg:$0x5] =	wrdreg s2;
	s2 =	sadd.s32 s4, s25;
	s4 =	sadd.s32 s4, s8  }
0x14: {  	v2 =	vlaneseq.u32;
	s26 =	simm.s32 $0x4;
	[dreg:$0x6] =	wrdreg s4;
	s2 =	sadd.s32 $0x18EC00, s2  }
0x15: {  	vm0 =	vmmov $0xffff;
	v1 =	vshrl.u32 v2, $0x3;
	s8 =	simm.s32 $0xD000;
	[dreg:$0x7] =	wrdreg s2;
	s2 =	simm.s32 $0x0  }
0x16: {  	v0 =	vand.u32 $0x7, v2;
	v2 =	vor.u32 $0x8, v2;
	v1 =	vmul.u32 $0x8, v1;
	s25 =	simm.s32 $0x2;
	s4 =	simm.s32 $0xB800;
	[dreg:$0x9] =	wrdreg s2  }
.LBB2_1:
0x17: {  	s2 =	rddreg [dreg:$0x5]  }
0x18: {  	[tilespmem:s3], [sflag:$0x5] =	stream.linear.gather [hbm4b:s2+s3], $0xA000, $0x38;
	[tilespmem:$0x1E000] =	vst v63  }
0x19: {  	s2 =	simm.s32 $0x5  }
0x1a: {  	_ =	swait.ge [sflag:s2], $0xA000  }
0x1b: {  	[sflag:s2] =	ssyncset.done $0x0  }
0x1c: {  	[sflag:s2] =	ssyncadd.s32 $0xFFFF6000  }
0x1d: {  	v3 =	vld [tilespmem:$0x0];
	_ =	sdelay $0x4  }
0x1e: {  	v4 =	vshll.u32 v3, $0x2  }
0x1f: {  	v3 =	vand.u32 $0x7, v3;
	v4 =	vand.u32 $0xFFFFFFE0, v4  }
0x20: {  	v3 =	vor.u32 v3, v4  }
0x21: {  	v4 =	vperm.xlane v3, v0;
	_ =	sdelay $0x1  }
0x22: {  	v4 =	vadd.s32 v1, v4;
	_ =	sdelay $0x1  }
0x23: {  	v3 =	vperm.xlane v3, v2;
	_ =	sdelay $0x1  }
0x24: {  	v3 =	vadd.s32 v1, v3  }
0x25: {  	[tilespmem:s28], [sflag:$0x1] =	stream.indirect_vreg.gather [hbm4b:s1+s3], $0x80, v4, vm0, $0xb8;
	[tilespmem:$0x1E000] =	vst v63  }
0x26: {  	_ = 	snop  }
0x27: {  	[tilespmem:s30], [sflag:$0x1] =	stream.indirect_vreg.gather [hbm4b:s5+s3], $0x80, v4, vm0, $0xb8;
	[tilespmem:$0x1E000] =	vst v63  }
0x28: {  	_ = 	snop  }
0x29: {  	[tilespmem:s29], [sflag:$0x1] =	stream.indirect_vreg.gather [hbm4b:s1+s3], $0x80, v3, vm0, $0xb8;
	[tilespmem:$0x1E000] =	vst v63  }
0x2a: {  	_ = 	snop  }
0x2b: {  	[tilespmem:s4], [sflag:$0x1] =	stream.indirect_vreg.gather [hbm4b:s5+s3], $0x80, v3, vm0, $0xb8;
	[tilespmem:$0x1E000] =	vst v63  }
0x2c: {  	v3 =	vld [tilespmem:$0x10];
	_ =	sdelay $0x4  }
0x2d: {  	v55 =	vshll.u32 v3, $0x2  }
0x2e: {  	v3 =	vand.u32 $0x7, v3;
	v4 =	vand.u32 $0xFFFFFFE0, v55  }
0x2f: {  	v3 =	vor.u32 v3, v4  }
0x30: {  	v4 =	vperm.xlane v3, v0;
	_ =	sdelay $0x1  }
0x31: {  	v4 =	vadd.s32 v1, v4;
	_ =	sdelay $0x1  }
0x32: {  	v3 =	vperm.xlane v3, v2;
	_ =	sdelay $0x1  }
0x33: {  	v3 =	vadd.s32 v1, v3  }
0x34: {  	[tilespmem:s6], [sflag:$0x1] =	stream.indirect_vreg.gather [hbm4b:s1+s3], $0x80, v4, vm0, $0xb8;
	[tilespmem:$0x1E000] =	vst v63  }
0x35: {  	_ = 	snop  }
0x36: {  	[tilespmem:s7], [sflag:$0x1] =	stream.indirect_vreg.gather [hbm4b:s5+s3], $0x80, v4, vm0, $0xb8;
	[tilespmem:$0x1E000] =	vst v63  }
0x37: {  	_ = 	snop  }
0x38: {  	[tilespmem:s8], [sflag:$0x1] =	stream.indirect_vreg.gather [hbm4b:s1+s3], $0x80, v3, vm0, $0xb8;
	[tilespmem:$0x1E000] =	vst v63  }
0x39: {  	_ = 	snop  }
0x3a: {  	[tilespmem:s9], [sflag:$0x1] =	stream.indirect_vreg.gather [hbm4b:s5+s3], $0x80, v3, vm0, $0xb8;
	[tilespmem:$0x1E000] =	vst v63  }
0x3b: {  	v3 =	vld [tilespmem:$0x20];
	_ =	sdelay $0x4  }
0x3c: {  	v56 =	vshll.u32 v3, $0x2  }
0x3d: {  	v3 =	vand.u32 $0x7, v3;
	v4 =	vand.u32 $0xFFFFFFE0, v56  }
0x3e: {  	v3 =	vor.u32 v3, v4  }
0x3f: {  	v4 =	vperm.xlane v3, v0;
	_ =	sdelay $0x1  }
0x40: {  	v4 =	vadd.s32 v1, v4;
	_ =	sdelay $0x1  }
0x41: {  	v3 =	vperm.xlane v3, v2;
	_ =	sdelay $0x1  }
0x42: {  	v3 =	vadd.s32 v1, v3  }
0x43: {  	[tilespmem:s11], [sflag:$0x1] =	stream.indirect_vreg.gather [hbm4b:s1+s3], $0x80, v4, vm0, $0xb8;
	[tilespmem:$0x1E000] =	vst v63  }
0x44: {  	_ = 	snop  }
0x45: {  	[tilespmem:s12], [sflag:$0x1] =	stream.indirect_vreg.gather [hbm4b:s5+s3], $0x80, v4, vm0, $0xb8;
	[tilespmem:$0x1E000] =	vst v63  }
0x46: {  	_ = 	snop  }
0x47: {  	[tilespmem:s13], [sflag:$0x1] =	stream.indirect_vreg.gather [hbm4b:s1+s3], $0x80, v3, vm0, $0xb8;
	[tilespmem:$0x1E000] =	vst v63  }
0x48: {  	_ = 	snop  }
0x49: {  	[tilespmem:s14], [sflag:$0x1] =	stream.indirect_vreg.gather [hbm4b:s5+s3], $0x80, v3, vm0, $0xb8;
	[tilespmem:$0x1E000] =	vst v63  }
0x4a: {  	v3 =	vld [tilespmem:$0x30];
	_ =	sdelay $0x4  }
0x4b: {  	v57 =	vshll.u32 v3, $0x2  }
0x4c: {  	v3 =	vand.u32 $0x7, v3;
	v4 =	vand.u32 $0xFFFFFFE0, v57  }
0x4d: {  	v3 =	vor.u32 v3, v4  }
0x4e: {  	v4 =	vperm.xlane v3, v0;
	_ =	sdelay $0x1  }
0x4f: {  	v4 =	vadd.s32 v1, v4;
	_ =	sdelay $0x1  }
0x50: {  	v3 =	vperm.xlane v3, v2;
	_ =	sdelay $0x1  }
0x51: {  	v3 =	vadd.s32 v1, v3  }
0x52: {  	[tilespmem:s15], [sflag:$0x1] =	stream.indirect_vreg.gather [hbm4b:s1+s3], $0x80, v4, vm0, $0xb8;
	[tilespmem:$0x1E000] =	vst v63  }
0x53: {  	_ = 	snop  }
0x54: {  	[tilespmem:s16], [sflag:$0x1] =	stream.indirect_vreg.gather [hbm4b:s5+s3], $0x80, v4, vm0, $0xb8;
	[tilespmem:$0x1E000] =	vst v63  }
0x55: {  	_ = 	snop  }
0x56: {  	[tilespmem:s17], [sflag:$0x1] =	stream.indirect_vreg.gather [hbm4b:s1+s3], $0x80, v3, vm0, $0xb8;
	[tilespmem:$0x1E000] =	vst v63  }
0x57: {  	_ = 	snop  }
0x58: {  	[tilespmem:s18], [sflag:$0x1] =	stream.indirect_vreg.gather [hbm4b:s5+s3], $0x80, v3, vm0, $0xb8;
	[tilespmem:$0x1E000] =	vst v63  }
0x59: {  	v3 =	vld [tilespmem:$0x40];
	_ =	sdelay $0x4  }
0x5a: {  	v58 =	vshll.u32 v3, $0x2  }
0x5b: {  	v3 =	vand.u32 $0x7, v3;
	v4 =	vand.u32 $0xFFFFFFE0, v58  }
0x5c: {  	v3 =	vor.u32 v3, v4  }
0x5d: {  	v4 =	vperm.xlane v3, v0;
	_ =	sdelay $0x1  }
0x5e: {  	v4 =	vadd.s32 v1, v4;
	_ =	sdelay $0x1  }
0x5f: {  	v3 =	vperm.xlane v3, v2;
	_ =	sdelay $0x1  }
0x60: {  	v3 =	vadd.s32 v1, v3  }
0x61: {  	[tilespmem:s19], [sflag:$0x1] =	stream.indirect_vreg.gather [hbm4b:s1+s3], $0x80, v4, vm0, $0xb8;
	[tilespmem:$0x1E000] =	vst v63  }
0x62: {  	_ = 	snop  }
0x63: {  	[tilespmem:s20], [sflag:$0x1] =	stream.indirect_vreg.gather [hbm4b:s5+s3], $0x80, v4, vm0, $0xb8;
	[tilespmem:$0x1E000] =	vst v63  }
0x64: {  	_ = 	snop  }
0x65: {  	[tilespmem:s21], [sflag:$0x1] =	stream.indirect_vreg.gather [hbm4b:s1+s3], $0x80, v3, vm0, $0xb8;
	[tilespmem:$0x1E000] =	vst v63  }
0x66: {  	_ = 	snop  }
0x67: {  	[tilespmem:s22], [sflag:$0x1] =	stream.indirect_vreg.gather [hbm4b:s5+s3], $0x80, v3, vm0, $0xb8;
	[tilespmem:$0x1E000] =	vst v63  }
0x68: {  	v3 =	vld [tilespmem:$0x80];
	_ =	sdelay $0x4  }
0x69: {  	v59 =	vshll.u32 v3, $0x2  }
0x6a: {  	v3 =	vand.u32 $0x7, v3;
	v4 =	vand.u32 $0xFFFFFFE0, v59  }
0x6b: {  	v3 =	vor.u32 v3, v4  }
0x6c: {  	v4 =	vperm.xlane v3, v0;
	_ =	sdelay $0x1  }
0x6d: {  	v4 =	vadd.s32 v1, v4;
	_ =	sdelay $0x1  }
0x6e: {  	v3 =	vperm.xlane v3, v2;
	_ =	sdelay $0x1  }
0x6f: {  	v3 =	vadd.s32 v1, v3  }
0x70: {  	[tilespmem:s0], [sflag:$0x2] =	stream.indirect_vreg.gather [hbm4b:s1+s3], $0x80, v4, vm0, $0xb8;
	[tilespmem:$0x1E000] =	vst v63  }
0x71: {  	_ = 	snop  }
0x72: {  	[tilespmem:s10], [sflag:$0x2] =	stream.indirect_vreg.gather [hbm4b:s5+s3], $0x80, v4, vm0, $0xb8;
	[tilespmem:$0x1E000] =	vst v63  }
0x73: {  	_ = 	snop  }
0x74: {  	[tilespmem:s31], [sflag:$0x2] =	stream.indirect_vreg.gather [hbm4b:s1+s3], $0x80, v3, vm0, $0xb8;
	[tilespmem:$0x1E000] =	vst v63  }
0x75: {  	s4 =	simm.s32 $0x15800  }
0x76: {  	[tilespmem:s4], [sflag:$0x2] =	stream.indirect_vreg.gather [hbm4b:s5+s3], $0x80, v3, vm0, $0xb8;
	[tilespmem:$0x1E000] =	vst v63  }
0x77: {  	v3 =	vld [tilespmem:$0x90];
	_ =	sdelay $0x4  }
0x78: {  	v60 =	vshll.u32 v3, $0x2  }
0x79: {  	v3 =	vand.u32 $0x7, v3;
	v4 =	vand.u32 $0xFFFFFFE0, v60  }
0x7a: {  	v3 =	vor.u32 v3, v4  }
0x7b: {  	v4 =	vperm.xlane v3, v0;
	_ =	sdelay $0x1  }
0x7c: {  	v4 =	vadd.s32 v1, v4;
	_ =	sdelay $0x1  }
0x7d: {  	v3 =	vperm.xlane v3, v2;
	_ =	sdelay $0x1  }
0x7e: {  	s6 =	simm.s32 $0x16000;
	v3 =	vadd.s32 v1, v3  }
0x7f: {  	[tilespmem:s6], [sflag:$0x2] =	stream.indirect_vreg.gather [hbm4b:s1+s3], $0x80, v4, vm0, $0xb8;
	[tilespmem:$0x1E000] =	vst v63  }
0x80: {  	s7 =	simm.s32 $0x16800  }
0x81: {  	[tilespmem:s7], [sflag:$0x2] =	stream.indirect_vreg.gather [hbm4b:s5+s3], $0x80, v4, vm0, $0xb8;
	[tilespmem:$0x1E000] =	vst v63  }
0x82: {  	s8 =	simm.s32 $0x17000  }
0x83: {  	[tilespmem:s8], [sflag:$0x2] =	stream.indirect_vreg.gather [hbm4b:s1+s3], $0x80, v3, vm0, $0xb8;
	[tilespmem:$0x1E000] =	vst v63  }
0x84: {  	s9 =	simm.s32 $0x17800  }
0x85: {  	[tilespmem:s9], [sflag:$0x2] =	stream.indirect_vreg.gather [hbm4b:s5+s3], $0x80, v3, vm0, $0xb8;
	[tilespmem:$0x1E000] =	vst v63  }
0x86: {  	v3 =	vld [tilespmem:$0xA0];
	_ =	sdelay $0x4  }
0x87: {  	v61 =	vshll.u32 v3, $0x2  }
0x88: {  	v3 =	vand.u32 $0x7, v3;
	v4 =	vand.u32 $0xFFFFFFE0, v61  }
0x89: {  	v3 =	vor.u32 v3, v4  }
0x8a: {  	v4 =	vperm.xlane v3, v0;
	_ =	sdelay $0x1  }
0x8b: {  	v4 =	vadd.s32 v1, v4;
	_ =	sdelay $0x1  }
0x8c: {  	v3 =	vperm.xlane v3, v2;
	_ =	sdelay $0x1  }
0x8d: {  	s10 =	simm.s32 $0x18000;
	v3 =	vadd.s32 v1, v3  }
0x8e: {  	[tilespmem:s10], [sflag:$0x2] =	stream.indirect_vreg.gather [hbm4b:s1+s3], $0x80, v4, vm0, $0xb8;
	[tilespmem:$0x1E000] =	vst v63  }
0x8f: {  	s11 =	simm.s32 $0x18800  }
0x90: {  	[tilespmem:s11], [sflag:$0x2] =	stream.indirect_vreg.gather [hbm4b:s5+s3], $0x80, v4, vm0, $0xb8;
	[tilespmem:$0x1E000] =	vst v63  }
0x91: {  	s12 =	simm.s32 $0x19000  }
0x92: {  	[tilespmem:s12], [sflag:$0x2] =	stream.indirect_vreg.gather [hbm4b:s1+s3], $0x80, v3, vm0, $0xb8;
	[tilespmem:$0x1E000] =	vst v63  }
0x93: {  	s13 =	simm.s32 $0x19800  }
0x94: {  	[tilespmem:s13], [sflag:$0x2] =	stream.indirect_vreg.gather [hbm4b:s5+s3], $0x80, v3, vm0, $0xb8;
	[tilespmem:$0x1E000] =	vst v63  }
0x95: {  	v3 =	vld [tilespmem:$0xB0];
	_ =	sdelay $0x4  }
0x96: {  	v62 =	vshll.u32 v3, $0x2  }
0x97: {  	v3 =	vand.u32 $0x7, v3;
	v4 =	vand.u32 $0xFFFFFFE0, v62  }
0x98: {  	v3 =	vor.u32 v3, v4  }
0x99: {  	v4 =	vperm.xlane v3, v0;
	_ =	sdelay $0x1  }
0x9a: {  	v4 =	vadd.s32 v1, v4;
	_ =	sdelay $0x1  }
0x9b: {  	v3 =	vperm.xlane v3, v2;
	_ =	sdelay $0x1  }
0x9c: {  	s14 =	simm.s32 $0x1A000;
	v3 =	vadd.s32 v1, v3  }
0x9d: {  	[tilespmem:s14], [sflag:$0x2] =	stream.indirect_vreg.gather [hbm4b:s1+s3], $0x80, v4, vm0, $0xb8;
	[tilespmem:$0x1E000] =	vst v63  }
0x9e: {  	s15 =	simm.s32 $0x1A800  }
0x9f: {  	[tilespmem:s15], [sflag:$0x2] =	stream.indirect_vreg.gather [hbm4b:s5+s3], $0x80, v4, vm0, $0xb8;
	[tilespmem:$0x1E000] =	vst v63  }
0xa0: {  	s16 =	simm.s32 $0x1B000  }
0xa1: {  	[tilespmem:s16], [sflag:$0x2] =	stream.indirect_vreg.gather [hbm4b:s1+s3], $0x80, v3, vm0, $0xb8;
	[tilespmem:$0x1E000] =	vst v63  }
0xa2: {  	s17 =	simm.s32 $0x1B800  }
0xa3: {  	[tilespmem:s17], [sflag:$0x2] =	stream.indirect_vreg.gather [hbm4b:s5+s3], $0x80, v3, vm0, $0xb8;
	[tilespmem:$0x1E000] =	vst v63  }
0xa4: {  	v3 =	vld [tilespmem:$0xC0];
	_ =	sdelay $0x4  }
0xa5: {  	v63 =	vshll.u32 v3, $0x2  }
0xa6: {  	v3 =	vand.u32 $0x7, v3;
	v4 =	vand.u32 $0xFFFFFFE0, v63  }
0xa7: {  	v3 =	vor.u32 v3, v4  }
0xa8: {  	v4 =	vperm.xlane v3, v0;
	_ =	sdelay $0x1  }
0xa9: {  	v4 =	vadd.s32 v1, v4;
	_ =	sdelay $0x1  }
0xaa: {  	s29 =	simm.s32 $0x1C0;
	v3 =	vperm.xlane v3, v2  }
0xab: {  	s18 =	simm.s32 $0x1C000;
	s19 =	simm.s32 $0x1C800;
	s20 =	simm.s32 $0x1D000  }
0xac: {  	s21 =	simm.s32 $0x1D800;
	s31 =	simm.s32 $0xA000;
	s6 =	simm.s32 $0x15000;
	v3 =	vadd.s32 v1, v3  }
0xad: {  	[tilespmem:s18], [sflag:$0x2] =	stream.indirect_vreg.gather [hbm4b:s1+s3], $0x80, v4, vm0, $0xb8;
	[tilespmem:$0x1E000] =	vst v63  }
0xae: {  	s7 =	simm.s32 $0xC800;
	s8 =	simm.s32 $0xD000;
	s9 =	simm.s32 $0xD800  }
0xaf: {  	[tilespmem:s19], [sflag:$0x2] =	stream.indirect_vreg.gather [hbm4b:s5+s3], $0x80, v4, vm0, $0xb8;
	[tilespmem:$0x1E000] =	vst v63  }
0xb0: {  	s10 =	simm.s32 $0x14800;
	s11 =	simm.s32 $0xE000;
	s12 =	simm.s32 $0xE800  }
0xb1: {  	[tilespmem:s20], [sflag:$0x2] =	stream.indirect_vreg.gather [hbm4b:s1+s3], $0x80, v3, vm0, $0xb8;
	[tilespmem:$0x1E000] =	vst v63  }
0xb2: {  	s13 =	simm.s32 $0xF000;
	s14 =	simm.s32 $0xF800;
	s15 =	simm.s32 $0x10000  }
0xb3: {  	[tilespmem:s21], [sflag:$0x2] =	stream.indirect_vreg.gather [hbm4b:s5+s3], $0x80, v3, vm0, $0xb8;
	[tilespmem:$0x1E000] =	vst v63  }
0xb4: {  	s16 =	simm.s32 $0x10800;
	s17 =	simm.s32 $0x11000;
	_ =	swait.ge [sflag:s23], $0xA000  }
0xb5: {  	s18 =	simm.s32 $0x11800;
	s19 =	simm.s32 $0x12000;
	[sflag:s23] =	ssyncset.done $0x0  }
0xb6: {  	s20 =	simm.s32 $0x12800;
	s22 =	rddreg [dreg:$0x6];
	[sflag:s23] =	ssyncadd.s32 $0xFFFF6000  }
0xb7: {  	[hbm4b:s22+s3] =	stream.linear.scatter [tilespmem:s28], [sflag:$0x3], $0xA000, $0x38;
	[tilespmem:$0x1E000] =	vst v63  }
0xb8: {  	s21 =	simm.s32 $0x13000;
	s22 =	simm.s32 $0x13800;
	s28 =	simm.s32 $0xFFE72800  }
.LBB2_2:
0xb9: {  	_ =	swait.ge [sflag:s24], $0xA000  }
0xba: {  	[sflag:s24] =	ssyncset.done $0x0  }
0xbb: {  	[sflag:s24] =	ssyncadd.s32 $0xFFFF6000  }
0xbc: {  	v3 =	vld [tilespmem:s29+$0xFFFFFF40];
	_ =	sdelay $0x4  }
0xbd: {  	v4 =	vshll.u32 v3, $0x2  }
0xbe: {  	v3 =	vand.u32 $0x7, v3;
	v4 =	vand.u32 $0xFFFFFFE0, v4  }
0xbf: {  	v3 =	vor.u32 v3, v4  }
0xc0: {  	v4 =	vperm.xlane v3, v0;
	_ =	sdelay $0x1  }
0xc1: {  	v4 =	vadd.s32 v1, v4;
	_ =	sdelay $0x1  }
0xc2: {  	v3 =	vperm.xlane v3, v2;
	_ =	sdelay $0x1  }
0xc3: {  	v3 =	vadd.s32 v1, v3  }
0xc4: {  	[tilespmem:s31], [sflag:$0x1] =	stream.indirect_vreg.gather [hbm4b:s1+s3], $0x80, v4, vm0, $0xb8;
	[tilespmem:$0x1E000] =	vst v63  }
0xc5: {  	_ = 	snop  }
0xc6: {  	[tilespmem:s30], [sflag:$0x1] =	stream.indirect_vreg.gather [hbm4b:s5+s3], $0x80, v4, vm0, $0xb8;
	[tilespmem:$0x1E000] =	vst v63  }
0xc7: {  	s0 =	simm.s32 $0xB000  }
0xc8: {  	[tilespmem:s0], [sflag:$0x1] =	stream.indirect_vreg.gather [hbm4b:s1+s3], $0x80, v3, vm0, $0xb8;
	[tilespmem:$0x1E000] =	vst v63  }
0xc9: {  	s4 =	simm.s32 $0xB800  }
0xca: {  	[tilespmem:s4], [sflag:$0x1] =	stream.indirect_vreg.gather [hbm4b:s5+s3], $0x80, v3, vm0, $0xb8;
	[tilespmem:$0x1E000] =	vst v63  }
0xcb: {  	v3 =	vld [tilespmem:s29+$0xFFFFFF50];
	_ =	sdelay $0x4  }
0xcc: {  	v55 =	vshll.u32 v3, $0x2  }
0xcd: {  	v3 =	vand.u32 $0x7, v3;
	v4 =	vand.u32 $0xFFFFFFE0, v55  }
0xce: {  	v3 =	vor.u32 v3, v4  }
0xcf: {  	v4 =	vperm.xlane v3, v0;
	_ =	sdelay $0x1  }
0xd0: {  	v4 =	vadd.s32 v1, v4;
	_ =	sdelay $0x1  }
0xd1: {  	v3 =	vperm.xlane v3, v2;
	_ =	sdelay $0x1  }
0xd2: {  	s2 =	simm.s32 $0xC000;
	v3 =	vadd.s32 v1, v3  }
0xd3: {  	[tilespmem:s2], [sflag:$0x1] =	stream.indirect_vreg.gather [hbm4b:s1+s3], $0x80, v4, vm0, $0xb8;
	[tilespmem:$0x1E000] =	vst v63  }
0xd4: {  	_ = 	snop  }
0xd5: {  	[tilespmem:s7], [sflag:$0x1] =	stream.indirect_vreg.gather [hbm4b:s5+s3], $0x80, v4, vm0, $0xb8;
	[tilespmem:$0x1E000] =	vst v63  }
0xd6: {  	_ = 	snop  }
0xd7: {  	[tilespmem:s8], [sflag:$0x1] =	stream.indirect_vreg.gather [hbm4b:s1+s3], $0x80, v3, vm0, $0xb8;
	[tilespmem:$0x1E000] =	vst v63  }
0xd8: {  	_ = 	snop  }
0xd9: {  	[tilespmem:s9], [sflag:$0x1] =	stream.indirect_vreg.gather [hbm4b:s5+s3], $0x80, v3, vm0, $0xb8;
	[tilespmem:$0x1E000] =	vst v63  }
0xda: {  	v3 =	vld [tilespmem:s29+$0xFFFFFF60];
	_ =	sdelay $0x4  }
0xdb: {  	v56 =	vshll.u32 v3, $0x2  }
0xdc: {  	v3 =	vand.u32 $0x7, v3;
	v4 =	vand.u32 $0xFFFFFFE0, v56  }
0xdd: {  	v3 =	vor.u32 v3, v4  }
0xde: {  	v4 =	vperm.xlane v3, v0;
	_ =	sdelay $0x1  }
0xdf: {  	v4 =	vadd.s32 v1, v4;
	_ =	sdelay $0x1  }
0xe0: {  	v3 =	vperm.xlane v3, v2;
	_ =	sdelay $0x1  }
0xe1: {  	v3 =	vadd.s32 v1, v3  }
0xe2: {  	[tilespmem:s11], [sflag:$0x1] =	stream.indirect_vreg.gather [hbm4b:s1+s3], $0x80, v4, vm0, $0xb8;
	[tilespmem:$0x1E000] =	vst v63  }
0xe3: {  	_ = 	snop  }
0xe4: {  	[tilespmem:s12], [sflag:$0x1] =	stream.indirect_vreg.gather [hbm4b:s5+s3], $0x80, v4, vm0, $0xb8;
	[tilespmem:$0x1E000] =	vst v63  }
0xe5: {  	_ = 	snop  }
0xe6: {  	[tilespmem:s13], [sflag:$0x1] =	stream.indirect_vreg.gather [hbm4b:s1+s3], $0x80, v3, vm0, $0xb8;
	[tilespmem:$0x1E000] =	vst v63  }
0xe7: {  	_ = 	snop  }
0xe8: {  	[tilespmem:s14], [sflag:$0x1] =	stream.indirect_vreg.gather [hbm4b:s5+s3], $0x80, v3, vm0, $0xb8;
	[tilespmem:$0x1E000] =	vst v63  }
0xe9: {  	v3 =	vld [tilespmem:s29+$0xFFFFFF70];
	_ =	sdelay $0x4  }
0xea: {  	v57 =	vshll.u32 v3, $0x2  }
0xeb: {  	v3 =	vand.u32 $0x7, v3;
	v4 =	vand.u32 $0xFFFFFFE0, v57  }
0xec: {  	v3 =	vor.u32 v3, v4  }
0xed: {  	v4 =	vperm.xlane v3, v0;
	_ =	sdelay $0x1  }
0xee: {  	v4 =	vadd.s32 v1, v4;
	_ =	sdelay $0x1  }
0xef: {  	v3 =	vperm.xlane v3, v2;
	_ =	sdelay $0x1  }
0xf0: {  	v3 =	vadd.s32 v1, v3  }
0xf1: {  	[tilespmem:s15], [sflag:$0x1] =	stream.indirect_vreg.gather [hbm4b:s1+s3], $0x80, v4, vm0, $0xb8;
	[tilespmem:$0x1E000] =	vst v63  }
0xf2: {  	_ = 	snop  }
0xf3: {  	[tilespmem:s16], [sflag:$0x1] =	stream.indirect_vreg.gather [hbm4b:s5+s3], $0x80, v4, vm0, $0xb8;
	[tilespmem:$0x1E000] =	vst v63  }
0xf4: {  	_ = 	snop  }
0xf5: {  	[tilespmem:s17], [sflag:$0x1] =	stream.indirect_vreg.gather [hbm4b:s1+s3], $0x80, v3, vm0, $0xb8;
	[tilespmem:$0x1E000] =	vst v63  }
0xf6: {  	_ = 	snop  }
0xf7: {  	[tilespmem:s18], [sflag:$0x1] =	stream.indirect_vreg.gather [hbm4b:s5+s3], $0x80, v3, vm0, $0xb8;
	[tilespmem:$0x1E000] =	vst v63  }
0xf8: {  	v3 =	vld [tilespmem:s29+$0xFFFFFF80];
	_ =	sdelay $0x4  }
0xf9: {  	v58 =	vshll.u32 v3, $0x2  }
0xfa: {  	v3 =	vand.u32 $0x7, v3;
	v4 =	vand.u32 $0xFFFFFFE0, v58  }
0xfb: {  	v3 =	vor.u32 v3, v4  }
0xfc: {  	v4 =	vperm.xlane v3, v0;
	_ =	sdelay $0x1  }
0xfd: {  	v4 =	vadd.s32 v1, v4;
	_ =	sdelay $0x1  }
0xfe: {  	v3 =	vperm.xlane v3, v2;
	_ =	sdelay $0x1  }
0xff: {  	v3 =	vadd.s32 v1, v3  }
0x100: {  	[tilespmem:s19], [sflag:$0x1] =	stream.indirect_vreg.gather [hbm4b:s1+s3], $0x80, v4, vm0, $0xb8;
	[tilespmem:$0x1E000] =	vst v63  }
0x101: {  	_ = 	snop  }
0x102: {  	[tilespmem:s20], [sflag:$0x1] =	stream.indirect_vreg.gather [hbm4b:s5+s3], $0x80, v4, vm0, $0xb8;
	[tilespmem:$0x1E000] =	vst v63  }
0x103: {  	_ = 	snop  }
0x104: {  	[tilespmem:s21], [sflag:$0x1] =	stream.indirect_vreg.gather [hbm4b:s1+s3], $0x80, v3, vm0, $0xb8;
	[tilespmem:$0x1E000] =	vst v63  }
0x105: {  	_ = 	snop  }
0x106: {  	[tilespmem:s22], [sflag:$0x1] =	stream.indirect_vreg.gather [hbm4b:s5+s3], $0x80, v3, vm0, $0xb8;
	[tilespmem:$0x1E000] =	vst v63  }
0x107: {  	_ =	swait.ge [sflag:s25], $0xA000  }
0x108: {  	s30 =	rddreg [dreg:$0x4]  }
0x109: {  	[sflag:s25] =	ssyncset.done $0x0;
	s30 =	sadd.s32 s28, s30  }
0x10a: {  	s4 =	simm.s32 $0x14000;
	[sflag:s25] =	ssyncadd.s32 $0xFFFF6000;
	s2 =	sadd.s32 $0x18EC00, s30  }
0x10b: {  	[hbm4b:s2+s3] =	stream.linear.scatter [tilespmem:s4], [sflag:$0x4], $0xA000, $0x38;
	[tilespmem:$0x1E000] =	vst v63  }
0x10c: {  	_ =	swait.ge [sflag:s26], $0xA000  }
0x10d: {  	[sflag:s26] =	ssyncset.done $0x0  }
0x10e: {  	[sflag:s26] =	ssyncadd.s32 $0xFFFF6000  }
0x10f: {  	v3 =	vld [tilespmem:s29+$0xFFFFFFC0];
	_ =	sdelay $0x4  }
0x110: {  	v59 =	vshll.u32 v3, $0x2  }
0x111: {  	v3 =	vand.u32 $0x7, v3;
	v4 =	vand.u32 $0xFFFFFFE0, v59  }
0x112: {  	v3 =	vor.u32 v3, v4  }
0x113: {  	v4 =	vperm.xlane v3, v0;
	_ =	sdelay $0x1  }
0x114: {  	v4 =	vadd.s32 v1, v4;
	_ =	sdelay $0x1  }
0x115: {  	v3 =	vperm.xlane v3, v2;
	_ =	sdelay $0x1  }
0x116: {  	v3 =	vadd.s32 v1, v3  }
0x117: {  	[tilespmem:s4], [sflag:$0x2] =	stream.indirect_vreg.gather [hbm4b:s1+s3], $0x80, v4, vm0, $0xb8;
	[tilespmem:$0x1E000] =	vst v63  }
0x118: {  	_ = 	snop  }
0x119: {  	[tilespmem:s10], [sflag:$0x2] =	stream.indirect_vreg.gather [hbm4b:s5+s3], $0x80, v4, vm0, $0xb8;
	[tilespmem:$0x1E000] =	vst v63  }
0x11a: {  	_ = 	snop  }
0x11b: {  	[tilespmem:s6], [sflag:$0x2] =	stream.indirect_vreg.gather [hbm4b:s1+s3], $0x80, v3, vm0, $0xb8;
	[tilespmem:$0x1E000] =	vst v63  }
0x11c: {  	s4 =	simm.s32 $0x15800  }
0x11d: {  	[tilespmem:s4], [sflag:$0x2] =	stream.indirect_vreg.gather [hbm4b:s5+s3], $0x80, v3, vm0, $0xb8;
	[tilespmem:$0x1E000] =	vst v63  }
0x11e: {  	v3 =	vld [tilespmem:s29+$0xFFFFFFD0];
	_ =	sdelay $0x4  }
0x11f: {  	v60 =	vshll.u32 v3, $0x2  }
0x120: {  	v3 =	vand.u32 $0x7, v3;
	v4 =	vand.u32 $0xFFFFFFE0, v60  }
0x121: {  	v3 =	vor.u32 v3, v4  }
0x122: {  	v4 =	vperm.xlane v3, v0;
	_ =	sdelay $0x1  }
0x123: {  	v4 =	vadd.s32 v1, v4;
	_ =	sdelay $0x1  }
0x124: {  	v3 =	vperm.xlane v3, v2;
	_ =	sdelay $0x1  }
0x125: {  	s4 =	simm.s32 $0x16000;
	v3 =	vadd.s32 v1, v3  }
0x126: {  	[tilespmem:s4], [sflag:$0x2] =	stream.indirect_vreg.gather [hbm4b:s1+s3], $0x80, v4, vm0, $0xb8;
	[tilespmem:$0x1E000] =	vst v63  }
0x127: {  	s4 =	simm.s32 $0x16800  }
0x128: {  	[tilespmem:s4], [sflag:$0x2] =	stream.indirect_vreg.gather [hbm4b:s5+s3], $0x80, v4, vm0, $0xb8;
	[tilespmem:$0x1E000] =	vst v63  }
0x129: {  	s4 =	simm.s32 $0x17000  }
0x12a: {  	[tilespmem:s4], [sflag:$0x2] =	stream.indirect_vreg.gather [hbm4b:s1+s3], $0x80, v3, vm0, $0xb8;
	[tilespmem:$0x1E000] =	vst v63  }
0x12b: {  	s4 =	simm.s32 $0x17800  }
0x12c: {  	[tilespmem:s4], [sflag:$0x2] =	stream.indirect_vreg.gather [hbm4b:s5+s3], $0x80, v3, vm0, $0xb8;
	[tilespmem:$0x1E000] =	vst v63  }
0x12d: {  	v3 =	vld [tilespmem:s29+$0xFFFFFFE0];
	_ =	sdelay $0x4  }
0x12e: {  	v61 =	vshll.u32 v3, $0x2  }
0x12f: {  	v3 =	vand.u32 $0x7, v3;
	v4 =	vand.u32 $0xFFFFFFE0, v61  }
0x130: {  	v3 =	vor.u32 v3, v4  }
0x131: {  	v4 =	vperm.xlane v3, v0;
	_ =	sdelay $0x1  }
0x132: {  	v4 =	vadd.s32 v1, v4;
	_ =	sdelay $0x1  }
0x133: {  	v3 =	vperm.xlane v3, v2;
	_ =	sdelay $0x1  }
0x134: {  	s4 =	simm.s32 $0x18000;
	v3 =	vadd.s32 v1, v3  }
0x135: {  	[tilespmem:s4], [sflag:$0x2] =	stream.indirect_vreg.gather [hbm4b:s1+s3], $0x80, v4, vm0, $0xb8;
	[tilespmem:$0x1E000] =	vst v63  }
0x136: {  	s4 =	simm.s32 $0x18800  }
0x137: {  	[tilespmem:s4], [sflag:$0x2] =	stream.indirect_vreg.gather [hbm4b:s5+s3], $0x80, v4, vm0, $0xb8;
	[tilespmem:$0x1E000] =	vst v63  }
0x138: {  	s4 =	simm.s32 $0x19000  }
0x139: {  	[tilespmem:s4], [sflag:$0x2] =	stream.indirect_vreg.gather [hbm4b:s1+s3], $0x80, v3, vm0, $0xb8;
	[tilespmem:$0x1E000] =	vst v63  }
0x13a: {  	s4 =	simm.s32 $0x19800  }
0x13b: {  	[tilespmem:s4], [sflag:$0x2] =	stream.indirect_vreg.gather [hbm4b:s5+s3], $0x80, v3, vm0, $0xb8;
	[tilespmem:$0x1E000] =	vst v63  }
0x13c: {  	v3 =	vld [tilespmem:s29+$0xFFFFFFF0];
	_ =	sdelay $0x4  }
0x13d: {  	v62 =	vshll.u32 v3, $0x2  }
0x13e: {  	v3 =	vand.u32 $0x7, v3;
	v4 =	vand.u32 $0xFFFFFFE0, v62  }
0x13f: {  	v3 =	vor.u32 v3, v4  }
0x140: {  	v4 =	vperm.xlane v3, v0;
	_ =	sdelay $0x1  }
0x141: {  	v4 =	vadd.s32 v1, v4;
	_ =	sdelay $0x1  }
0x142: {  	v3 =	vperm.xlane v3, v2;
	_ =	sdelay $0x1  }
0x143: {  	s4 =	simm.s32 $0x1A000;
	v3 =	vadd.s32 v1, v3  }
0x144: {  	[tilespmem:s4], [sflag:$0x2] =	stream.indirect_vreg.gather [hbm4b:s1+s3], $0x80, v4, vm0, $0xb8;
	[tilespmem:$0x1E000] =	vst v63  }
0x145: {  	s4 =	simm.s32 $0x1A800  }
0x146: {  	[tilespmem:s4], [sflag:$0x2] =	stream.indirect_vreg.gather [hbm4b:s5+s3], $0x80, v4, vm0, $0xb8;
	[tilespmem:$0x1E000] =	vst v63  }
0x147: {  	s4 =	simm.s32 $0x1B000  }
0x148: {  	[tilespmem:s4], [sflag:$0x2] =	stream.indirect_vreg.gather [hbm4b:s1+s3], $0x80, v3, vm0, $0xb8;
	[tilespmem:$0x1E000] =	vst v63  }
0x149: {  	s4 =	simm.s32 $0x1B800  }
0x14a: {  	[tilespmem:s4], [sflag:$0x2] =	stream.indirect_vreg.gather [hbm4b:s5+s3], $0x80, v3, vm0, $0xb8;
	[tilespmem:$0x1E000] =	vst v63  }
0x14b: {  	v3 =	vld [tilespmem:s29+$0x0];
	_ =	sdelay $0x4  }
0x14c: {  	v63 =	vshll.u32 v3, $0x2  }
0x14d: {  	v3 =	vand.u32 $0x7, v3;
	v4 =	vand.u32 $0xFFFFFFE0, v63  }
0x14e: {  	v3 =	vor.u32 v3, v4  }
0x14f: {  	v4 =	vperm.xlane v3, v0;
	_ =	sdelay $0x1  }
0x150: {  	v4 =	vadd.s32 v1, v4;
	_ =	sdelay $0x1  }
0x151: {  	v3 =	vperm.xlane v3, v2;
	_ =	sdelay $0x1  }
0x152: {  	s4 =	simm.s32 $0x1C000;
	v3 =	vadd.s32 v1, v3  }
0x153: {  	[tilespmem:s4], [sflag:$0x2] =	stream.indirect_vreg.gather [hbm4b:s1+s3], $0x80, v4, vm0, $0xb8;
	[tilespmem:$0x1E000] =	vst v63  }
0x154: {  	s4 =	simm.s32 $0x1C800  }
0x155: {  	[tilespmem:s4], [sflag:$0x2] =	stream.indirect_vreg.gather [hbm4b:s5+s3], $0x80, v4, vm0, $0xb8;
	[tilespmem:$0x1E000] =	vst v63  }
0x156: {  	s4 =	simm.s32 $0x1D000  }
0x157: {  	[tilespmem:s4], [sflag:$0x2] =	stream.indirect_vreg.gather [hbm4b:s1+s3], $0x80, v3, vm0, $0xb8;
	[tilespmem:$0x1E000] =	vst v63  }
0x158: {  	p0 =	sne.s32 s28, $0xFFFFD800;
	s4 =	simm.s32 $0x1D800  }
0x159: {  	[tilespmem:s4], [sflag:$0x2] =	stream.indirect_vreg.gather [hbm4b:s5+s3], $0x80, v3, vm0, $0xb8;
	[tilespmem:$0x1E000] =	vst v63  }
.Ltmp0:
0x15a: {  	_ = 	snop;
	(pc) =	sbr.rel @p0 .LBB2_2-.Ltmp0, $4  }
0x15b: {  	s0 =	simm.s32 $0x14000;
	_ =	swait.ge [sflag:s23], $0xA000  }
0x15c: {  	s28 =	sadd.s32 $0x2800, s28;
	s29 =	sadd.s32 $0x100, s29;
	[sflag:s23] =	ssyncset.done $0x0  }
0x15d: {  	s4 =	sadd.s32 $0x190000, s30;
	s30 =	simm.s32 $0xA800;
	[sflag:s23] =	ssyncadd.s32 $0xFFFF6000  }
0x15e: {  	[hbm4b:s4+s3] =	stream.linear.scatter [tilespmem:s31], [sflag:$0x3], $0xA000, $0x38;
	[tilespmem:$0x1E000] =	vst v63  }
0x15f: {  	_ =	swait.ge [sflag:s24], $0xA000  }
0x160: {  	[sflag:s24] =	ssyncset.done $0x0  }
0x161: {  	[sflag:s24] =	ssyncadd.s32 $0xFFFF6000  }
0x162: {  	_ =	swait.ge [sflag:s25], $0xA000  }
0x163: {  	s29 =	simm.s32 $0xB000;
	s6 =	simm.s32 $0xC000;
	[sflag:s25] =	ssyncset.done $0x0  }
0x164: {  	s7 =	simm.s32 $0xC800;
	s2 =	rddreg [dreg:$0x7];
	[sflag:s25] =	ssyncadd.s32 $0xFFFF6000  }
0x165: {  	[hbm4b:s2+s3] =	stream.linear.scatter [tilespmem:s0], [sflag:$0x4], $0xA000, $0x38;
	[tilespmem:$0x1E000] =	vst v63  }
0x166: {  	s8 =	simm.s32 $0xD000;
	s9 =	simm.s32 $0xD800;
	_ =	swait.ge [sflag:s26], $0xA000  }
0x167: {  	s11 =	simm.s32 $0xE000;
	s12 =	simm.s32 $0xE800;
	s4 =	rddreg [dreg:$0x9]  }
0x168: {  	s13 =	simm.s32 $0xF000;
	s22 =	rddreg [dreg:$0x8];
	s4 =	sadd.s32 $0x1, s4  }
0x169: {  	s14 =	simm.s32 $0xF800;
	s15 =	simm.s32 $0x10000;
	p0 =	sne.s32 s4, s22  }
.Ltmp1:
0x16a: {  	s16 =	simm.s32 $0x10800;
	s17 =	simm.s32 $0x11000;
	(pc) =	sbr.rel @p0 .LBB2_1-.Ltmp1, $4  }
0x16b: {  	s18 =	simm.s32 $0x11800;
	s19 =	simm.s32 $0x12000;
	s20 =	simm.s32 $0x12800  }
0x16c: {  	s21 =	simm.s32 $0x13000;
	s10 =	simm.s32 $0x14800;
	[sflag:s26] =	ssyncset.done $0x0  }
0x16d: {  	s28 =	simm.s32 $0xA000;
	s31 =	simm.s32 $0x15000;
	[sflag:s26] =	ssyncadd.s32 $0xFFFF6000  }
0x16e: {  	[dreg:$0x9] =	wrdreg s4;
	s4 =	simm.s32 $0xB800;
	s22 =	simm.s32 $0x13800  }
0x16f: {  	_ =	sfence.sel $0x180000  }
0x170: {  	[bflag:$0x0] =	sbarrier.arrive $0xFFFF  }
0x171: {  	_ =	strace $0x90000047  }
0x172: {  	s0 =	stileid.u32;
	[bflag:$0x2] =	sbarrier.arrive $0xFFFF  }
0x173: {  	p0 =	sne.s32 s0, $0x0;
	s0 =	rddreg [dreg:$0x3]  }
0x174: {  	s0 =	sadd.s32 @!p0 $0x100000, s0  }
0x175: {  	[sflag:s0] =	ssyncadd.tile.s32 @!p0 $0x1;
	_ =	shalt  }
.Lfunc_end2:
_tile_overlayer_lowered:
.L_overlay_start_2:
0x176: {  	(tag) =	ssettag $0x2  }
0x177: {  	s0 =	rddreg [dreg:$0x0];
	s2 =	stileid.u32  }
0x178: {  	s1 =	rddreg [dreg:$0x1];
	p0 =	sne.s32 s2, $0x0  }
0x179: {  	s3 =	rddreg [dreg:$0x2];
	[bflag:$0x3] =	sbarrier.arrive $0xFFFF;
	s2 =	simm.s32 @!p0 $0x1C05  }
0x17a: {  	[timem:s3], [sflag:s2] =	dma.local @!p0 [hbm:s0], s1  }
0x17b: {  	s0 =	simm.s32 @!p0 $0x5  }
0x17c: {  	_ =	swait.ge @!p0 [sflag:s0], s1  }
0x17d: {  	s1 =	ssub.s32 @!p0 $0x0, s1;
	[sflag:s0] =	ssyncset.done @!p0 $0x0  }
0x17e: {  	[sflag:s0] =	ssyncadd.s32 @!p0 s1  }
0x17f: {  	[bflag:$0x3] =	sbarrier.arrive $0xFFFF  }
0x180: {  	_ =	shalt  }

</sc_bundles>
